<compile_context>
chip_gen: v7x
topology: tpu7x:2x2x1
jax: 0.10.2.dev20260603
libtpu: 0.0.44.dev20260713+nightly
codegen_flags: <defaults>
</compile_context>

<pallas_src>
import functools

import jax
import jax.numpy as jnp
from jax import lax
from jax.experimental import pallas as pl
from jax.experimental.pallas import tpu as pltpu
from jax.experimental.pallas import tpu_sc as plsc


def _make_kernel(B, S, D):
    mesh = plsc.ScalarSubcoreMesh(axis_name="c", num_cores=1)

    @functools.partial(
        pl.kernel,
        out_type=jax.ShapeDtypeStruct((B, D), jnp.float32),
        mesh=mesh,
        scratch_types=[
            pltpu.SMEM((B,), jnp.int32),
            pltpu.SemaphoreType.DMA,
        ],
    )
    def last_pool(x_hbm, leng_hbm, out_hbm, leng_s, sem):
        pltpu.sync_copy(leng_hbm, leng_s)
        copies = []
        for b in range(B):
            idx = lax.rem(leng_s[b] + (S - 1), S)
            copies.append(
                pltpu.make_async_copy(x_hbm.at[b, idx], out_hbm.at[b], sem)
            )
        for c in copies:
            c.start()
        for c in copies:
            c.wait()

    return last_pool


def kernel(x, leng):
    B, S, D = x.shape
    return _make_kernel(B, S, D)(x, leng.astype(jnp.int32))

# --- scband reference (transcript-rebuilt; emitter-appended) ---
"""Pipeline reference for scband-last-pooling-18820546691459 (READ-ONLY COPY).

The authoritative reference and input builder live on the scoring server;
editing this copy changes nothing except your own understanding.
"""

import jax, jax.numpy as jnp
import numpy as np


def setup_inputs(seed: int = 0) -> dict:
    key = jax.random.key(seed)
    k1, k2 = jax.random.split(key)
    x = jax.random.normal(k1, (4, 8192, 1024), dtype=jnp.float32)
    leng = jax.random.randint(k2, (4,), 0, 8192, dtype=jnp.int32)
    return {"x": x, "leng": leng}


def reference(x, leng):
    # LastPooling: select the feature vector at position leng-1 for each batch row
    last_index = leng.astype(jnp.int32) - 1
    ret = x[jnp.arange(x.shape[0]), last_index, :]
    return ret

if __name__ == "__main__":
    import jax
    _d = setup_inputs()
    print(jax.jit(kernel)(*tuple(_d.values())))

</pallas_src>

<mosaic_0001>
#map = affine_map<(d0) -> (0, 0, 0)>
#map1 = affine_map<(d0) -> (0)>
#map2 = affine_map<(d0) -> (0, 0)>
module attributes {stable_mosaic.version = 14 : i64} {
  func.func @last_pool(%arg0: i32, %arg1: memref<4x8192x1024xf32, #tpu.memory_space<hbm>>, %arg2: memref<4xi32, #tpu.memory_space<hbm>>, %arg3: memref<4x1024xf32, #tpu.memory_space<hbm>>, %arg4: memref<4xi32, #tpu.memory_space<smem>>, %arg5: memref<!tpu.dma_semaphore, #tpu.memory_space<semaphore_mem>>) attributes {dimension_semantics = [#tpu.dimension_semantics<core_parallel>], iteration_bounds = array<i64: 1>, scalar_prefetch = 0 : i64, scratch_operands = 2 : i64, tpu.core_type = #tpu.core_type<sc_scalar_subcore>, window_params = [{transform_indices = #map}, {transform_indices = #map1}, {transform_indices = #map2}]} {
    "tpu.region"() ({
      %run_scoped3A = tpu.sem_alloc : memref<!tpu.dma_semaphore, #tpu.memory_space<semaphore_mem>>
      tpu.enqueue_dma source(%arg2 : memref<4xi32, #tpu.memory_space<hbm>>) target(%arg4 : memref<4xi32, #tpu.memory_space<smem>>) target_semaphore(%run_scoped3A : memref<!tpu.dma_semaphore, #tpu.memory_space<semaphore_mem>>)
      tpu.wait_dma2 semaphore(%run_scoped3A : memref<!tpu.dma_semaphore, #tpu.memory_space<semaphore_mem>>) src(%arg2 : memref<4xi32, #tpu.memory_space<hbm>>) dst(%arg4 : memref<4xi32, #tpu.memory_space<smem>>)
      tpu.yield
    }) : () -> ()
    %get3A = arith.constant 0 : i32
    %get3A_0 = arith.index_cast %get3A : i32 to index
    %get3A_1 = memref.load %arg4[%get3A_0] : memref<4xi32, #tpu.memory_space<smem>>
    %add3A = arith.constant 8191 : i32
    %add3A_2 = arith.addi %get3A_1, %add3A : i32
    %rem3A = arith.constant 8192 : i32
    %rem3A_3 = arith.remsi %add3A_2, %rem3A : i32
    %get3A_4 = arith.constant 1 : i32
    %get3A_5 = arith.index_cast %get3A_4 : i32 to index
    %get3A_6 = memref.load %arg4[%get3A_5] : memref<4xi32, #tpu.memory_space<smem>>
    %add3A_7 = arith.constant 8191 : i32
    %add3A_8 = arith.addi %get3A_6, %add3A_7 : i32
    %rem3A_9 = arith.constant 8192 : i32
    %rem3A_10 = arith.remsi %add3A_8, %rem3A_9 : i32
    %get3A_11 = arith.constant 2 : i32
    %get3A_12 = arith.index_cast %get3A_11 : i32 to index
    %get3A_13 = memref.load %arg4[%get3A_12] : memref<4xi32, #tpu.memory_space<smem>>
    %add3A_14 = arith.constant 8191 : i32
    %add3A_15 = arith.addi %get3A_13, %add3A_14 : i32
    %rem3A_16 = arith.constant 8192 : i32
    %rem3A_17 = arith.remsi %add3A_15, %rem3A_16 : i32
    %get3A_18 = arith.constant 3 : i32
    %get3A_19 = arith.index_cast %get3A_18 : i32 to index
    %get3A_20 = memref.load %arg4[%get3A_19] : memref<4xi32, #tpu.memory_space<smem>>
    %add3A_21 = arith.constant 8191 : i32
    %add3A_22 = arith.addi %get3A_20, %add3A_21 : i32
    %rem3A_23 = arith.constant 8192 : i32
    %rem3A_24 = arith.remsi %add3A_22, %rem3A_23 : i32
    %dma_start3A = arith.constant 0 : i32
    %dma_start3A_25 = arith.constant 0 : i32
    %dma_start3A_26 = arith.constant 0 : i32
    %dma_start3A_27 = tpu.memref_slice %arg3[%dma_start3A_25, %dma_start3A_26] : memref<4x1024xf32, #tpu.memory_space<hbm>> -> memref<1x1024xf32, #tpu.memory_space<hbm>>
    %dma_start3A_28 = tpu.memref_squeeze %dma_start3A_27 : memref<1x1024xf32, #tpu.memory_space<hbm>> -> memref<1024xf32, #tpu.memory_space<hbm>>
    %dma_start3A_29 = arith.constant 0 : i32
    %dma_start3A_30 = tpu.memref_slice %arg1[%dma_start3A, %rem3A_3, %dma_start3A_29] : memref<4x8192x1024xf32, #tpu.memory_space<hbm>> -> memref<1x1x1024xf32, #tpu.memory_space<hbm>>
    %dma_start3A_31 = tpu.memref_squeeze %dma_start3A_30 : memref<1x1x1024xf32, #tpu.memory_space<hbm>> -> memref<1024xf32, #tpu.memory_space<hbm>>
    tpu.enqueue_dma source(%dma_start3A_31 : memref<1024xf32, #tpu.memory_space<hbm>>) target(%dma_start3A_28 : memref<1024xf32, #tpu.memory_space<hbm>>) target_semaphore(%arg5 : memref<!tpu.dma_semaphore, #tpu.memory_space<semaphore_mem>>)
    %dma_start3A_32 = arith.constant 1 : i32
    %dma_start3A_33 = arith.constant 1 : i32
    %dma_start3A_34 = arith.constant 0 : i32
    %dma_start3A_35 = tpu.memref_slice %arg3[%dma_start3A_33, %dma_start3A_34] : memref<4x1024xf32, #tpu.memory_space<hbm>> -> memref<1x1024xf32, #tpu.memory_space<hbm>>
    %dma_start3A_36 = tpu.memref_squeeze %dma_start3A_35 : memref<1x1024xf32, #tpu.memory_space<hbm>> -> memref<1024xf32, #tpu.memory_space<hbm>>
    %dma_start3A_37 = arith.constant 0 : i32
    %dma_start3A_38 = tpu.memref_slice %arg1[%dma_start3A_32, %rem3A_10, %dma_start3A_37] : memref<4x8192x1024xf32, #tpu.memory_space<hbm>> -> memref<1x1x1024xf32, #tpu.memory_space<hbm>>
    %dma_start3A_39 = tpu.memref_squeeze %dma_start3A_38 : memref<1x1x1024xf32, #tpu.memory_space<hbm>> -> memref<1024xf32, #tpu.memory_space<hbm>>
    tpu.enqueue_dma source(%dma_start3A_39 : memref<1024xf32, #tpu.memory_space<hbm>>) target(%dma_start3A_36 : memref<1024xf32, #tpu.memory_space<hbm>>) target_semaphore(%arg5 : memref<!tpu.dma_semaphore, #tpu.memory_space<semaphore_mem>>)
    %dma_start3A_40 = arith.constant 2 : i32
    %dma_start3A_41 = arith.constant 2 : i32
    %dma_start3A_42 = arith.constant 0 : i32
    %dma_start3A_43 = tpu.memref_slice %arg3[%dma_start3A_41, %dma_start3A_42] : memref<4x1024xf32, #tpu.memory_space<hbm>> -> memref<1x1024xf32, #tpu.memory_space<hbm>>
    %dma_start3A_44 = tpu.memref_squeeze %dma_start3A_43 : memref<1x1024xf32, #tpu.memory_space<hbm>> -> memref<1024xf32, #tpu.memory_space<hbm>>
    %dma_start3A_45 = arith.constant 0 : i32
    %dma_start3A_46 = tpu.memref_slice %arg1[%dma_start3A_40, %rem3A_17, %dma_start3A_45] : memref<4x8192x1024xf32, #tpu.memory_space<hbm>> -> memref<1x1x1024xf32, #tpu.memory_space<hbm>>
    %dma_start3A_47 = tpu.memref_squeeze %dma_start3A_46 : memref<1x1x1024xf32, #tpu.memory_space<hbm>> -> memref<1024xf32, #tpu.memory_space<hbm>>
    tpu.enqueue_dma source(%dma_start3A_47 : memref<1024xf32, #tpu.memory_space<hbm>>) target(%dma_start3A_44 : memref<1024xf32, #tpu.memory_space<hbm>>) target_semaphore(%arg5 : memref<!tpu.dma_semaphore, #tpu.memory_space<semaphore_mem>>)
    %dma_start3A_48 = arith.constant 3 : i32
    %dma_start3A_49 = arith.constant 3 : i32
    %dma_start3A_50 = arith.constant 0 : i32
    %dma_start3A_51 = tpu.memref_slice %arg3[%dma_start3A_49, %dma_start3A_50] : memref<4x1024xf32, #tpu.memory_space<hbm>> -> memref<1x1024xf32, #tpu.memory_space<hbm>>
    %dma_start3A_52 = tpu.memref_squeeze %dma_start3A_51 : memref<1x1024xf32, #tpu.memory_space<hbm>> -> memref<1024xf32, #tpu.memory_space<hbm>>
    %dma_start3A_53 = arith.constant 0 : i32
    %dma_start3A_54 = tpu.memref_slice %arg1[%dma_start3A_48, %rem3A_24, %dma_start3A_53] : memref<4x8192x1024xf32, #tpu.memory_space<hbm>> -> memref<1x1x1024xf32, #tpu.memory_space<hbm>>
    %dma_start3A_55 = tpu.memref_squeeze %dma_start3A_54 : memref<1x1x1024xf32, #tpu.memory_space<hbm>> -> memref<1024xf32, #tpu.memory_space<hbm>>
    tpu.enqueue_dma source(%dma_start3A_55 : memref<1024xf32, #tpu.memory_space<hbm>>) target(%dma_start3A_52 : memref<1024xf32, #tpu.memory_space<hbm>>) target_semaphore(%arg5 : memref<!tpu.dma_semaphore, #tpu.memory_space<semaphore_mem>>)
    %dma_wait3A = arith.constant 0 : i32
    %dma_wait3A_56 = arith.constant 0 : i32
    %dma_wait3A_57 = arith.constant 0 : i32
    %dma_wait3A_58 = tpu.memref_slice %arg3[%dma_wait3A_56, %dma_wait3A_57] : memref<4x1024xf32, #tpu.memory_space<hbm>> -> memref<1x1024xf32, #tpu.memory_space<hbm>>
    %dma_wait3A_59 = tpu.memref_squeeze %dma_wait3A_58 : memref<1x1024xf32, #tpu.memory_space<hbm>> -> memref<1024xf32, #tpu.memory_space<hbm>>
    %dma_wait3A_60 = arith.constant 0 : i32
    %dma_wait3A_61 = tpu.memref_slice %arg1[%dma_wait3A, %rem3A_3, %dma_wait3A_60] : memref<4x8192x1024xf32, #tpu.memory_space<hbm>> -> memref<1x1x1024xf32, #tpu.memory_space<hbm>>
    %dma_wait3A_62 = tpu.memref_squeeze %dma_wait3A_61 : memref<1x1x1024xf32, #tpu.memory_space<hbm>> -> memref<1024xf32, #tpu.memory_space<hbm>>
    tpu.wait_dma2 semaphore(%arg5 : memref<!tpu.dma_semaphore, #tpu.memory_space<semaphore_mem>>) src(%dma_wait3A_62 : memref<1024xf32, #tpu.memory_space<hbm>>) dst(%dma_wait3A_59 : memref<1024xf32, #tpu.memory_space<hbm>>)
    %dma_wait3A_63 = arith.constant 1 : i32
    %dma_wait3A_64 = arith.constant 1 : i32
    %dma_wait3A_65 = arith.constant 0 : i32
    %dma_wait3A_66 = tpu.memref_slice %arg3[%dma_wait3A_64, %dma_wait3A_65] : memref<4x1024xf32, #tpu.memory_space<hbm>> -> memref<1x1024xf32, #tpu.memory_space<hbm>>
    %dma_wait3A_67 = tpu.memref_squeeze %dma_wait3A_66 : memref<1x1024xf32, #tpu.memory_space<hbm>> -> memref<1024xf32, #tpu.memory_space<hbm>>
    %dma_wait3A_68 = arith.constant 0 : i32
    %dma_wait3A_69 = tpu.memref_slice %arg1[%dma_wait3A_63, %rem3A_10, %dma_wait3A_68] : memref<4x8192x1024xf32, #tpu.memory_space<hbm>> -> memref<1x1x1024xf32, #tpu.memory_space<hbm>>
    %dma_wait3A_70 = tpu.memref_squeeze %dma_wait3A_69 : memref<1x1x1024xf32, #tpu.memory_space<hbm>> -> memref<1024xf32, #tpu.memory_space<hbm>>
    tpu.wait_dma2 semaphore(%arg5 : memref<!tpu.dma_semaphore, #tpu.memory_space<semaphore_mem>>) src(%dma_wait3A_70 : memref<1024xf32, #tpu.memory_space<hbm>>) dst(%dma_wait3A_67 : memref<1024xf32, #tpu.memory_space<hbm>>)
    %dma_wait3A_71 = arith.constant 2 : i32
    %dma_wait3A_72 = arith.constant 2 : i32
    %dma_wait3A_73 = arith.constant 0 : i32
    %dma_wait3A_74 = tpu.memref_slice %arg3[%dma_wait3A_72, %dma_wait3A_73] : memref<4x1024xf32, #tpu.memory_space<hbm>> -> memref<1x1024xf32, #tpu.memory_space<hbm>>
    %dma_wait3A_75 = tpu.memref_squeeze %dma_wait3A_74 : memref<1x1024xf32, #tpu.memory_space<hbm>> -> memref<1024xf32, #tpu.memory_space<hbm>>
    %dma_wait3A_76 = arith.constant 0 : i32
    %dma_wait3A_77 = tpu.memref_slice %arg1[%dma_wait3A_71, %rem3A_17, %dma_wait3A_76] : memref<4x8192x1024xf32, #tpu.memory_space<hbm>> -> memref<1x1x1024xf32, #tpu.memory_space<hbm>>
    %dma_wait3A_78 = tpu.memref_squeeze %dma_wait3A_77 : memref<1x1x1024xf32, #tpu.memory_space<hbm>> -> memref<1024xf32, #tpu.memory_space<hbm>>
    tpu.wait_dma2 semaphore(%arg5 : memref<!tpu.dma_semaphore, #tpu.memory_space<semaphore_mem>>) src(%dma_wait3A_78 : memref<1024xf32, #tpu.memory_space<hbm>>) dst(%dma_wait3A_75 : memref<1024xf32, #tpu.memory_space<hbm>>)
    %dma_wait3A_79 = arith.constant 3 : i32
    %dma_wait3A_80 = arith.constant 3 : i32
    %dma_wait3A_81 = arith.constant 0 : i32
    %dma_wait3A_82 = tpu.memref_slice %arg3[%dma_wait3A_80, %dma_wait3A_81] : memref<4x1024xf32, #tpu.memory_space<hbm>> -> memref<1x1024xf32, #tpu.memory_space<hbm>>
    %dma_wait3A_83 = tpu.memref_squeeze %dma_wait3A_82 : memref<1x1024xf32, #tpu.memory_space<hbm>> -> memref<1024xf32, #tpu.memory_space<hbm>>
    %dma_wait3A_84 = arith.constant 0 : i32
    %dma_wait3A_85 = tpu.memref_slice %arg1[%dma_wait3A_79, %rem3A_24, %dma_wait3A_84] : memref<4x8192x1024xf32, #tpu.memory_space<hbm>> -> memref<1x1x1024xf32, #tpu.memory_space<hbm>>
    %dma_wait3A_86 = tpu.memref_squeeze %dma_wait3A_85 : memref<1x1x1024xf32, #tpu.memory_space<hbm>> -> memref<1024xf32, #tpu.memory_space<hbm>>
    tpu.wait_dma2 semaphore(%arg5 : memref<!tpu.dma_semaphore, #tpu.memory_space<semaphore_mem>>) src(%dma_wait3A_86 : memref<1024xf32, #tpu.memory_space<hbm>>) dst(%dma_wait3A_83 : memref<1024xf32, #tpu.memory_space<hbm>>)
    return
  }
}

</mosaic_0001>

<sc_bundles>
// kernel: kernel.3.cloned.1.call-start
scs
__scs_entry_jumppad:
0x0: {  	(pc) =	sbr.rel $0x88, $3  }
0x1: {  	(tag) =	ssettag $0x0;
	lr =	simm.s32 $0x1  }
0x2: {  	[smem:$0x3F9F] =	sst lr;
	_ =	strace $0xD0000000  }
0x3: {  	_ = 	snop  }
0x4: {  	_ = 	snop  }
0x5: {  	_ = 	snop  }
0x6: {  	_ = 	snop  }
0x7: {  	_ = 	snop  }
__scs_overlays_trampoline_lowered:
0x8: {  	[smem:$0x3FAE] =	sst s0  }
0x9: {  	[smem:$0x3FAF] =	sst s1  }
0xa: {  	[smem:$0x3FB0] =	sst s2  }
0xb: {  	[smem:$0x3FB1] =	sst s3  }
0xc: {  	[smem:$0x3FB2] =	sst s4  }
0xd: {  	[smem:$0x3FB3] =	sst s5  }
0xe: {  	[smem:$0x3FB4] =	sst s6  }
0xf: {  	[smem:$0x3FB5] =	sst s7  }
0x10: {  	[smem:$0x3FB6] =	sst s8  }
0x11: {  	[smem:$0x3FB7] =	sst s9;
	s0 =	simm.s32 @!p0 $0x0  }
0x12: {  	s1 =	sld [smem:$0x3F9D];
	s0 =	simm.s32 @p0 $0x1  }
0x13: {  	[smem:$0x3FB8] =	sst s0;
	s0 =	simm.s32 @!p1 $0x0  }
0x14: {  	s2 =	sld [smem:$0x3F9C];
	s0 =	simm.s32 @p1 $0x1  }
0x15: {  	[smem:$0x3FB9] =	sst s0;
	s0 =	simm.s32 @!p2 $0x0  }
0x16: {  	s3 =	sld [smem:$0x3FDB];
	s0 =	simm.s32 @p2 $0x1  }
0x17: {  	s4 =	simm.s32 $0x1BF5;
	[smem:$0x3FBB] =	sst s0  }
0x18: {  	s0 =	sld [smem:$0x3F9E];
	_ =	swait.ge [sflag:s4], $0x0  }
0x19: {  	s7 =	sld [smem:$0x3F9F]  }
0x1a: {  	s8 =	sadd.s32 $0xFFFFE003, lr  }
0x1b: {  	s9 =	sadd.s32 $0xFFFFFEF7, lr;
	s5 =	simm.s32 $0xFFFFFFFF;
	p2 =	slt.u32 s8, $0xFFFFF086  }
0x1c: {  	p1 =	slt.u32 s9, $0xF7A;
	s5 =	simm.s32 @!p2 $0x0  }
0x1d: {  	s5 =	simm.s32 @p1 $0x1;
	p0 =	seq.s32 s7, s2  }
0x1e: {  	s7 =	smul.u32 @!p0 $0xF7A, s2;
	p2 =	seq.s32 @!p0 s5, $0x0  }
0x1f: {  	s9 =	smul.u32 $0xF7A, s1;
	s8 =	simm.s32 @!p0 $0x1BF5;
	p2 =	por !p2, p0  }
0x20: {  	[sflag:s8] =	ssyncset.s32 @!p0 $0xFFFFF086;
	s6 =	sadd.s32 @!p0 s3, s7;
	s7 =	simm.s32 @!p0 $0x108  }
0x21: {  	s3 =	sadd.s32 s3, s9;
	s6 =	sadd.s32 @!p0 $0x88, s6;
	s7 =	simm.s32 @p2 $0x1082  }
0x22: {  	[simem:s7], [sflag:s8] =	dma.local @!p0 [hbm:s6], $0xF7A  }
0x23: {  	s9 =	sor.u32 $0xD0000000, s2;
	s6 =	simm.s32 $0x108;
	_ =	swait.ge @!p0 [sflag:s8], $0x0  }
0x24: {  	s3 =	sadd.s32 $0x88, s3;
	s6 =	simm.s32 @!p1 $0x1082;
	[sflag:s4] =	ssyncset.s32 $0xFFFFF086  }
0x25: {  	[simem:s6], [sflag:s4] =	dma.local [hbm:s3], $0xF7A  }
0x26: {  	[smem:$0x3F9F] =	sst s1;
	(tag) =	ssettag s2;
	_ =	strace s9  }
0x27: {  	s1 =	sld [smem:$0x3FAF]  }
0x28: {  	s2 =	sld [smem:$0x3FB0]  }
0x29: {  	s4 =	sld [smem:$0x3FB2]  }
0x2a: {  	p0 =	seq.s32 s5, $0x0;
	s5 =	sld [smem:$0x3FB3]  }
0x2b: {  	s6 =	sld [smem:$0x3FB4]  }
0x2c: {  	s7 =	sld [smem:$0x3FB5]  }
0x2d: {  	s3 =	simm.s32 $0x108;
	s8 =	sld [smem:$0x3FB6]  }
0x2e: {  	s3 =	simm.s32 @!p0 $0x1082;
	s9 =	sld [smem:$0x3FB7]  }
0x2f: {  	lr =	sadd.s32 s0, s3;
	s0 =	sld [smem:$0x3FAE]  }
0x30: {  	s3 =	sld [smem:$0x3FB1]  }
0x31: {  	[smem:$0x3FBA] =	sst s10  }
0x32: {  	s10 =	sld [smem:$0x3FB8];
	_ =	sdelay $0x3  }
0x33: {  	p0 =	seq.s32 s10, $0x1;
	s10 =	sld [smem:$0x3FBA];
	_ =	sdelay $0x3  }
0x34: {  	[smem:$0x3FBA] =	sst s10  }
0x35: {  	s10 =	sld [smem:$0x3FB9];
	_ =	sdelay $0x3  }
0x36: {  	p1 =	seq.s32 s10, $0x1;
	s10 =	sld [smem:$0x3FBA];
	_ =	sdelay $0x3  }
0x37: {  	[smem:$0x3FBA] =	sst s10  }
0x38: {  	s10 =	sld [smem:$0x3FBB]  }
0x39: {  	_ = 	snop;
	(pc) =	sbr.ind lr, $3  }
0x3a: {  	_ = 	snop  }
0x3b: {  	_ = 	snop  }
0x3c: {  	p2 =	seq.s32 s10, $0x1;
	s10 =	sld [smem:$0x3FBA]  }
0x3d: {  	_ =	shalt  }
0x3e: {  	_ =	shalt  }
0x3f: {  	_ =	shalt  }
0x40: {  	_ =	shalt  }
0x41: {  	_ =	shalt  }
0x42: {  	_ =	shalt  }
0x43: {  	_ =	shalt  }
0x44: {  	_ =	shalt  }
0x45: {  	_ =	shalt  }
0x46: {  	_ =	shalt  }
0x47: {  	_ =	shalt  }
0x48: {  	_ =	shalt  }
0x49: {  	_ =	shalt  }
0x4a: {  	_ =	shalt  }
0x4b: {  	_ =	shalt  }
0x4c: {  	_ =	shalt  }
0x4d: {  	_ =	shalt  }
0x4e: {  	_ =	shalt  }
0x4f: {  	_ =	shalt  }
0x50: {  	_ =	shalt  }
0x51: {  	_ =	shalt  }
0x52: {  	_ =	shalt  }
0x53: {  	_ =	shalt  }
0x54: {  	_ =	shalt  }
0x55: {  	_ =	shalt  }
0x56: {  	_ =	shalt  }
0x57: {  	_ =	shalt  }
0x58: {  	_ =	shalt  }
0x59: {  	_ =	shalt  }
0x5a: {  	_ =	shalt  }
0x5b: {  	_ =	shalt  }
0x5c: {  	_ =	shalt  }
0x5d: {  	_ =	shalt  }
0x5e: {  	_ =	shalt  }
0x5f: {  	_ =	shalt  }
0x60: {  	_ =	shalt  }
0x61: {  	_ =	shalt  }
0x62: {  	_ =	shalt  }
0x63: {  	_ =	shalt  }
0x64: {  	_ =	shalt  }
0x65: {  	_ =	shalt  }
0x66: {  	_ =	shalt  }
0x67: {  	_ =	shalt  }
0x68: {  	_ =	shalt  }
0x69: {  	_ =	shalt  }
0x6a: {  	_ =	shalt  }
0x6b: {  	_ =	shalt  }
0x6c: {  	_ =	shalt  }
0x6d: {  	_ =	shalt  }
0x6e: {  	_ =	shalt  }
0x6f: {  	_ =	shalt  }
0x70: {  	_ =	shalt  }
0x71: {  	_ =	shalt  }
0x72: {  	_ =	shalt  }
0x73: {  	_ =	shalt  }
0x74: {  	_ =	shalt  }
0x75: {  	_ =	shalt  }
0x76: {  	_ =	shalt  }
0x77: {  	_ =	shalt  }
0x78: {  	_ =	shalt  }
0x79: {  	_ =	shalt  }
0x7a: {  	_ =	shalt  }
0x7b: {  	_ =	shalt  }
0x7c: {  	_ =	shalt  }
0x7d: {  	_ =	shalt  }
0x7e: {  	_ =	shalt  }
0x7f: {  	_ =	shalt  }
0x80: {  	_ =	shalt  }
0x81: {  	_ =	shalt  }
0x82: {  	_ =	shalt  }
0x83: {  	_ =	shalt  }
0x84: {  	_ =	shalt  }
0x85: {  	_ =	shalt  }
0x86: {  	_ =	shalt  }
0x87: {  	_ =	shalt  }
.Lfunc_end0:
.L_simem_size_0:
called_computation_lowered:
.L_overlay_start_0:
0x88: {  	s0 =	sld [smem:$0x3FD9]  }
0x89: {  	s1 =	sld [smem:$0x3FFE];
	_ =	sdelay $0x3  }
0x8a: {  	s0 =	sadd.s32 s1, s0  }
0x8b: {  	s3 =	simm.s32 $0x0;
	[smem:$0x3FC6] =	sst s0  }
0x8c: {  	[smem:$0xF] =	sst s3  }
0x8d: {  	s0 =	sld [smem:$0x3FC9]  }
0x8e: {  	s2 =	sld [smem:$0x3FC8]  }
0x8f: {  	s31 =	sld [smem:$0x3FD0];
	(tm) =	ssettm $0x1  }
0x90: {  	s9 =	sld [smem:$0x3FFB];
	_ =	sdelay $0x3  }
0x91: {  	_ =	strace s9  }
0x92: {  	s3 =	sld [smem:$0x3FFC];
	_ =	sdelay $0x3  }
0x93: {  	_ =	strace s3  }
0x94: {  	s3 =	sld [smem:$0x3FFD];
	_ =	sdelay $0x3  }
0x95: {  	_ =	strace s3  }
0x96: {  	s10 =	simm.s32 $0x1B8B;
	_ =	strace $0x8FFFFFFF  }
0x97: {  	_ =	swait.ge [sflag:s10], $0x1  }
0x98: {  	[sflag:s10] =	ssyncset.done $0x0  }
0x99: {  	s11 =	simm.s32 $0x1B8E;
	[sflag:s10] =	ssyncadd.s32 $0xFFFFFFFF  }
0x9a: {  	[smem:$0x3FD2] =	sst s11  }
0x9b: {  	s12 =	simm.s32 $0xA;
	s4 =	simm.s32 $0x10;
	_ =	strace $0x80000046  }
0x9c: {  	[smem:s4], [sflag:s12] =	dma.local [hbm:s2], $0x10  }
0x9d: {  	_ =	swait.ge [sflag:s12], $0x10  }
0x9e: {  	[sflag:s12] =	ssyncset.done $0x0  }
0x9f: {  	[sflag:s12] =	ssyncadd.s32 $0xFFFFFFF0  }
0xa0: {  	s13 =	sld [smem:$0x10];
	_ =	sdelay $0x1  }
0xa1: {  	s3 =	sld [smem:$0x11]  }
0xa2: {  	s17 =	sld [smem:$0x12]  }
0xa3: {  	s6 =	simm.s32 $0x1;
	s7 =	simm.s32 $0x40;
	s2 =	sadd.s32 $0x1FFF, s13  }
0xa4: {  	s8 =	simm.s32 $0x80;
	s9 =	simm.s32 $0x9;
	s14 =	sshra.s32 s2, $0x1F  }
0xa5: {  	s18 =	sld [smem:$0x13];
	s3 =	sadd.s32 $0x1FFF, s3;
	s4 =	sshrl.u32 s14, $0x13  }
0xa6: {  	s19 =	sadd.s32 $0x1FFF, s17;
	s5 =	sshra.s32 s3, $0x1F;
	s4 =	sadd.s32 s4, s2  }
0xa7: {  	s10 =	sshra.s32 s19, $0x1F;
	s15 =	sshrl.u32 s5, $0x13;
	s4 =	sand.u32 $0xFFFFE000, s4  }
0xa8: {  	s10 =	sshrl.u32 s10, $0x13;
	s2 =	ssub.s32 s2, s4;
	s4 =	sadd.s32 s15, s3  }
0xa9: {  	s16 =	sshll.u32 s2, $0xA;
	s2 =	sshll.u32 s2, $0x7;
	s4 =	sand.u32 $0xFFFFE000, s4  }
0xaa: {  	s5 =	sand.u32 $0xFFFFE000, s16;
	s2 =	sand.u32 $0x380, s2;
	s3 =	ssub.s32 s3, s4  }
0xab: {  	s2 =	sor.u32 s2, s5;
	s20 =	sshll.u32 s3, $0xA;
	s3 =	sshll.u32 s3, $0x7  }
0xac: {  	s2 =	sshrl.u32 s2, $0x3;
	s4 =	sand.u32 $0xFFFFE000, s20;
	s3 =	sand.u32 $0x380, s3  }
0xad: {  	s21 =	sadd.s32 s10, s19;
	s2 =	sadd.s32 s0, s2;
	s3 =	sor.u32 s3, s4  }
0xae: {  	[hbm:s31@s7], [sflag:s9] =	dma.strided [hbm:s2@s8], $0x80, s6, $0x10   }
0xaf: {  	s4 =	sand.u32 $0xFFFFE000, s21;
	s3 =	sadd.s32 $0x800000, s3  }
0xb0: {  	s22 =	sadd.s32 $0x10, s31;
	s2 =	ssub.s32 s19, s4;
	s3 =	sshrl.u32 s3, $0x3  }
0xb1: {  	s23 =	sshll.u32 s2, $0xA;
	s2 =	sshll.u32 s2, $0x7;
	s3 =	sadd.s32 s0, s3  }
0xb2: {  	[hbm:s22@s7], [sflag:s9] =	dma.strided [hbm:s3@s8], $0x80, s6, $0x10   }
0xb3: {  	s25 =	sadd.s32 $0x1FFF, s18;
	s2 =	sand.u32 $0x380, s2;
	s3 =	sand.u32 $0xFFFFE000, s23  }
0xb4: {  	s26 =	sshra.s32 s25, $0x1F;
	s2 =	sor.u32 s2, s3  }
0xb5: {  	s3 =	sshrl.u32 s26, $0x13;
	s2 =	sadd.s32 $0x1000000, s2  }
0xb6: {  	s3 =	sadd.s32 s3, s25;
	s2 =	sshrl.u32 s2, $0x3  }
0xb7: {  	s24 =	sadd.s32 $0x20, s31;
	s3 =	sand.u32 $0xFFFFE000, s3;
	s2 =	sadd.s32 s0, s2  }
0xb8: {  	[hbm:s24@s7], [sflag:s9] =	dma.strided [hbm:s2@s8], $0x80, s6, $0x10   }
0xb9: {  	s2 =	ssub.s32 s25, s3  }
0xba: {  	s3 =	sshll.u32 s2, $0xA;
	s2 =	sshll.u32 s2, $0x7  }
0xbb: {  	s3 =	sand.u32 $0xFFFFE000, s3;
	s2 =	sand.u32 $0x380, s2  }
0xbc: {  	s2 =	sor.u32 s2, s3  }
0xbd: {  	s2 =	sadd.s32 $0x1800000, s2  }
0xbe: {  	s2 =	sshrl.u32 s2, $0x3  }
0xbf: {  	s1 =	sadd.s32 $0x30, s31;
	s0 =	sadd.s32 s0, s2  }
0xc0: {  	[hbm:s1@s7], [sflag:s9] =	dma.strided [hbm:s0@s8], $0x80, s6, $0x10   }
0xc1: {  	_ =	swait.ge [sflag:s9], $0x80  }
0xc2: {  	[sflag:s9] =	ssyncset.done $0x0  }
0xc3: {  	[sflag:s9] =	ssyncadd.s32 $0xFFFFFF80;
	_ =	sdelay $0x2  }
0xc4: {  	_ =	swait.ge [sflag:s9], $0x80  }
0xc5: {  	[sflag:s9] =	ssyncset.done $0x0  }
0xc6: {  	[sflag:s9] =	ssyncadd.s32 $0xFFFFFF80;
	_ =	sdelay $0x2  }
0xc7: {  	_ =	swait.ge [sflag:s9], $0x80  }
0xc8: {  	[sflag:s9] =	ssyncset.done $0x0  }
0xc9: {  	[sflag:s9] =	ssyncadd.s32 $0xFFFFFF80;
	_ =	sdelay $0x2  }
0xca: {  	_ =	swait.ge [sflag:s9], $0x80  }
0xcb: {  	[sflag:s9] =	ssyncset.done $0x0  }
0xcc: {  	[sflag:s9] =	ssyncadd.s32 $0xFFFFFF80  }
0xcd: {  	_ =	strace $0x90000046  }
0xce: {  	_ =	sfence  }
0xcf: {  	s28 =	sld [smem:$0x0];
	_ =	sdelay $0x1  }
0xd0: {  	s29 =	srdreg.scid  }
0xd1: {  	s30 =	sshll.u32 s29, $0xD;
	s31 =	sshrl.u32 s29, $0x2  }
0xd2: {  	s2 =	sand.u32 $0x4000, s30;
	s1 =	sand.u32 $0x1, s29;
	s0 =	sadd.s32 s31, s28  }
0xd3: {  	s1 =	sor.u32 s2, s1;
	s0 =	sshll.u32 s0, $0x11  }
0xd4: {  	s0 =	sor.u32 s0, s1  }
0xd5: {  	s0 =	sadd.s32 $0x8F2B, s0;
	(pc) =	sbr.abs _section_cstart, $3  }
0xd6: {  	[sflag:s0] =	ssyncadd.remote.s32 $0x1  }
0xd7: {  	_ =	strace $0x9FFFFFFF  }
0xd8: {  	(tm) =	ssettm $0x7FFFFFFF  }
0xd9: {  	_ =	shalt  }

</sc_bundles>
